<compile_context>
chip_gen: v7x
topology: tpu7x:2x2x1
jax: 0.10.2.dev20260603
libtpu: 0.0.44.dev20260713+nightly
codegen_flags: <defaults>
</compile_context>

<pallas_src>
import functools

import jax
import jax.numpy as jnp
from jax import lax
from jax.experimental import pallas as pl
from jax.experimental.pallas import tpu as pltpu
from jax.experimental.pallas import tpu_sc as plsc

N_NODES = 10000
D = 128
ALPHA = 0.5

NUM_CORES = 2
NUM_TILES = 16
CHUNK = 128
CHUNKS_PER_TILE = 157
EDGES_PER_TILE = CHUNKS_PER_TILE * CHUNK
E_PAD = EDGES_PER_TILE * NUM_TILES
ACC_ROWS = 10112
ROWS_PER_TILE = ACC_ROWS // NUM_TILES
X_PAD_ROWS = 10016


def _sc_aggregate(x_pad, src_pad, dst_pad, z2d, z1d):
    mesh = plsc.VectorSubcoreMesh(core_axis_name="c", subcore_axis_name="s")
    out_type = (
        jax.ShapeDtypeStruct((ACC_ROWS, D), jnp.float32),
        jax.ShapeDtypeStruct((ACC_ROWS,), jnp.float32),
        jax.ShapeDtypeStruct((ACC_ROWS, D), jnp.float32),
        jax.ShapeDtypeStruct((ACC_ROWS,), jnp.float32),
    )
    scratch = [
        pltpu.VMEM_SHARED((ACC_ROWS, D), jnp.float32),
        pltpu.VMEM_SHARED((ACC_ROWS,), jnp.float32),
        pltpu.VMEM((CHUNK,), jnp.int32),
        pltpu.VMEM((CHUNK,), jnp.int32),
        pltpu.VMEM((CHUNK, D), jnp.float32),
        pltpu.VMEM((CHUNK,), jnp.float32),
        pltpu.SemaphoreType.DMA,
        pltpu.SemaphoreType.DMA,
    ]

    @functools.partial(pl.kernel, mesh=mesh, out_type=out_type,
                       scratch_types=scratch)
    def sc_kernel(x_hbm, src_hbm, dst_hbm, z2d_hbm, z1d_hbm,
                  sum1_hbm, deg1_hbm, sum2_hbm, deg2_hbm,
                  acc, deg, idx_g, idx_s, rows, ones, sem, ssem):
        c = lax.axis_index("c")
        s = lax.axis_index("s")

        for i in range(CHUNK // 16):
            ones[pl.ds(i * 16, 16)] = jnp.ones((16,), jnp.float32)

        pltpu.sync_copy(z2d_hbm, acc.at[pl.ds(s * ROWS_PER_TILE,
                                              ROWS_PER_TILE)])
        @pl.when(s == 0)
        def _():
            pltpu.sync_copy(z1d_hbm, deg)
        plsc.subcore_barrier()

        def run_direction(gidx_hbm, sidx_hbm):
            base = s * EDGES_PER_TILE

            pltpu.async_copy(z2d_hbm.at[pl.ds(0, CHUNK)], rows, ssem)

            def body(k, _):
                off = base + k * CHUNK
                pltpu.sync_copy(gidx_hbm.at[pl.ds(off, CHUNK)], idx_g)
                pltpu.make_async_copy(rows, acc.at[idx_s], ssem).wait()
                gd = pltpu.async_copy(x_hbm.at[idx_g], rows, sem)
                pltpu.sync_copy(sidx_hbm.at[pl.ds(off, CHUNK)], idx_s)
                pltpu.sync_copy(ones, deg.at[idx_s], add=True)
                gd.wait()
                pltpu.async_copy(rows, acc.at[idx_s], ssem, add=True)
                return _

            lax.fori_loop(0, CHUNKS_PER_TILE, body, None)
            pltpu.make_async_copy(rows, acc.at[idx_s], ssem).wait()

        @pl.when(c == 0)
        def _():
            run_direction(src_hbm, dst_hbm)

        @pl.when(c == 1)
        def _():
            run_direction(dst_hbm, src_hbm)

        plsc.subcore_barrier()

        r0 = s * ROWS_PER_TILE

        @pl.when(c == 0)
        def _():
            pltpu.sync_copy(acc.at[pl.ds(r0, ROWS_PER_TILE)],
                            sum1_hbm.at[pl.ds(r0, ROWS_PER_TILE)])
            @pl.when(s == 0)
            def _():
                pltpu.sync_copy(deg, deg1_hbm)

        @pl.when(c == 1)
        def _():
            pltpu.sync_copy(acc.at[pl.ds(r0, ROWS_PER_TILE)],
                            sum2_hbm.at[pl.ds(r0, ROWS_PER_TILE)])
            @pl.when(s == 0)
            def _():
                pltpu.sync_copy(deg, deg2_hbm)

    return sc_kernel(x_pad, src_pad, dst_pad, z2d, z1d)


BLK = 1000


def _tc_combine_body(x_ref, w1_ref, w2_ref, w3_ref, b_ref,
                     sum1_ref, deg1_ref, sum2_ref, deg2_ref, out_ref):
    f32 = jnp.float32
    dn = (((1,), (1,)), ((), ()))
    x = x_ref[...]
    m1 = sum1_ref[...] / jnp.maximum(deg1_ref[...], 1.0)
    m2 = sum2_ref[...] / jnp.maximum(deg2_ref[...], 1.0)
    out = lax.dot_general(x, w3_ref[...], dn, preferred_element_type=f32,
                          precision=lax.Precision.HIGHEST)
    out += b_ref[0, :][None, :]
    out += (1.0 - ALPHA) * lax.dot_general(m1, w1_ref[...], dn,
                                           preferred_element_type=f32,
                                           precision=lax.Precision.HIGHEST)
    out += ALPHA * lax.dot_general(m2, w2_ref[...], dn,
                                   preferred_element_type=f32,
                                   precision=lax.Precision.HIGHEST)
    out_ref[...] = out


def _tc_combine(x, W_s2d, W_d2s, W_self, b2d, sum1, deg1, sum2, deg2):
    n = x.shape[0]
    grid = (n // BLK,)
    full128 = pl.BlockSpec((128, 128), lambda i: (0, 0))
    rows = pl.BlockSpec((BLK, 128), lambda i: (i, 0))
    col = pl.BlockSpec((BLK, 1), lambda i: (i, 0))
    return pl.pallas_call(
        _tc_combine_body,
        grid=grid,
        in_specs=[rows, full128, full128, full128,
                  pl.BlockSpec((8, 128), lambda i: (0, 0)),
                  rows, col, rows, col],
        out_specs=rows,
        out_shape=jax.ShapeDtypeStruct((n, 128), jnp.float32),
    )(x, W_s2d, W_d2s, W_self, b2d, sum1, deg1, sum2, deg2)


def kernel(x, edge_index, W_s2d, W_d2s, W_self, b_self):
    ei = edge_index.astype(jnp.int32)
    pad_len = E_PAD - ei.shape[1]
    pad = jnp.full((pad_len,), N_NODES, jnp.int32)
    src_pad = jnp.concatenate([ei[0], pad])
    dst_pad = jnp.concatenate([ei[1], pad])
    x_pad = jnp.concatenate([x, jnp.zeros((X_PAD_ROWS - N_NODES, D), x.dtype)])
    z2d = jnp.zeros((ROWS_PER_TILE, D), jnp.float32)
    z1d = jnp.zeros((ACC_ROWS,), jnp.float32)

    sum1, deg1, sum2, deg2 = _sc_aggregate(x_pad, src_pad, dst_pad, z2d, z1d)

    b2d = jnp.broadcast_to(b_self[None, :], (8, D))
    return _tc_combine(x, W_s2d, W_d2s, W_self, b2d,
                       sum1, deg1[:, None], sum2, deg2[:, None])

# --- scband reference (transcript-rebuilt; emitter-appended) ---
"""Pipeline reference for scband-dir-sage-conv-36567351558755 (READ-ONLY COPY).

The authoritative reference and input builder live on the scoring server;
editing this copy changes nothing except your own understanding.
"""

import jax, jax.numpy as jnp
import numpy as np

N_NODES = 10000
N_EDGES = 320000
D_IN = 128
D_OUT = 128
ALPHA = 0.5


def setup_inputs(seed: int = 0) -> dict:
    key = jax.random.key(seed)
    k_x, k_e, k_w1, k_w2, k_w3, k_b = jax.random.split(key, 6)
    x = jax.random.normal(k_x, (N_NODES, D_IN), dtype=jnp.float32)
    edge_index = jax.random.randint(k_e, (2, N_EDGES), 0, N_NODES, dtype=jnp.int64)
    scale = 1.0 / np.sqrt(D_IN)
    W_s2d = jax.random.uniform(k_w1, (D_OUT, D_IN), dtype=jnp.float32, minval=-scale, maxval=scale)
    W_d2s = jax.random.uniform(k_w2, (D_OUT, D_IN), dtype=jnp.float32, minval=-scale, maxval=scale)
    W_self = jax.random.uniform(k_w3, (D_OUT, D_IN), dtype=jnp.float32, minval=-scale, maxval=scale)
    b_self = jax.random.uniform(k_b, (D_OUT,), dtype=jnp.float32, minval=-scale, maxval=scale)
    return {"x": x, "edge_index": edge_index, "W_s2d": W_s2d, "W_d2s": W_d2s, "W_self": W_self, "b_self": b_self}


def _mean_aggregate(x, idx_gather, idx_scatter, num_nodes):
    # gather features from idx_gather nodes, scatter-mean into idx_scatter nodes
    msgs = x[idx_gather]
    summed = jax.ops.segment_sum(msgs, idx_scatter, num_segments=num_nodes)
    deg = jax.ops.segment_sum(jnp.ones((idx_scatter.shape[0],), dtype=x.dtype), idx_scatter, num_segments=num_nodes)
    deg = jnp.maximum(deg, 1.0)
    return summed / deg[:, None]


def reference(x, edge_index, W_s2d, W_d2s, W_self, b_self):
    src = edge_index[0]
    dst = edge_index[1]
    N = x.shape[0]
    # SAGEConv(flow='source_to_target', root_weight=False, bias=False), aggr=mean:
    # each dst node aggregates mean of x[src], then linear transform
    mean_s2d = _mean_aggregate(x, src, dst, N)
    out_s2d = mean_s2d @ W_s2d.T
    # SAGEConv(flow='target_to_source'): each src node aggregates mean of x[dst]
    mean_d2s = _mean_aggregate(x, dst, src, N)
    out_d2s = mean_d2s @ W_d2s.T
    self_out = x @ W_self.T + b_self
    return self_out + (1.0 - ALPHA) * out_s2d + ALPHA * out_d2s

if __name__ == "__main__":
    import jax
    _d = setup_inputs()
    print(jax.jit(kernel)(*tuple(_d.values())))

</pallas_src>

<mosaic_0001>
#map = affine_map<(d0, d1) -> (0, 0)>
#map1 = affine_map<(d0, d1) -> (0)>
module attributes {stable_mosaic.version = 14 : i64} {
  func.func @sc_kernel(%arg0: i32, %arg1: i32, %arg2: memref<10016x128xf32, #tpu.memory_space<hbm>>, %arg3: memref<321536xi32, #tpu.memory_space<hbm>>, %arg4: memref<321536xi32, #tpu.memory_space<hbm>>, %arg5: memref<632x128xf32, #tpu.memory_space<hbm>>, %arg6: memref<10112xf32, #tpu.memory_space<hbm>>, %arg7: memref<10112x128xf32, #tpu.memory_space<hbm>>, %arg8: memref<10112xf32, #tpu.memory_space<hbm>>, %arg9: memref<10112x128xf32, #tpu.memory_space<hbm>>, %arg10: memref<10112xf32, #tpu.memory_space<hbm>>, %arg11: memref<10112x128xf32, #tpu.memory_space<vmem_shared>>, %arg12: memref<10112xf32, #tpu.memory_space<vmem_shared>>, %arg13: memref<128xi32, #tpu.memory_space<vmem>>, %arg14: memref<128xi32, #tpu.memory_space<vmem>>, %arg15: memref<128x128xf32, #tpu.memory_space<vmem>>, %arg16: memref<128xf32, #tpu.memory_space<vmem>>, %arg17: memref<!tpu.dma_semaphore, #tpu.memory_space<semaphore_mem>>, %arg18: memref<!tpu.dma_semaphore, #tpu.memory_space<semaphore_mem>>) attributes {dimension_semantics = [#tpu.dimension_semantics<core_parallel>, #tpu.dimension_semantics<subcore_parallel>], iteration_bounds = array<i64: 2, 16>, scalar_prefetch = 0 : i64, scratch_operands = 8 : i64, tpu.core_type = #tpu.core_type<sc_vector_subcore>, window_params = [{transform_indices = #map}, {transform_indices = #map1}, {transform_indices = #map1}, {transform_indices = #map}, {transform_indices = #map1}, {transform_indices = #map}, {transform_indices = #map1}, {transform_indices = #map}, {transform_indices = #map1}]} {
    %broadcast_in_dim3A = arith.constant 1.000000e+00 : f32
    %broadcast_in_dim3A_0 = vector.broadcast %broadcast_in_dim3A : f32 to vector<16xf32>
    %swap3A = arith.constant 0 : index
    %swap3A_1 = tpu.vector_load %arg16[%swap3A] {strides = array<i32>} : memref<128xf32, #tpu.memory_space<vmem>>, vector<16xf32>,
    %swap3A_2 = vector.shape_cast %swap3A_1 : vector<16xf32> to vector<16xf32>
    %swap3A_3 = vector.shape_cast %broadcast_in_dim3A_0 : vector<16xf32> to vector<16xf32>
    tpu.vector_store %arg16[%swap3A], %swap3A_3 {strides = array<i32>} : memref<128xf32, #tpu.memory_space<vmem>>, vector<16xf32>,
    %broadcast_in_dim3A_4 = arith.constant 1.000000e+00 : f32
    %broadcast_in_dim3A_5 = vector.broadcast %broadcast_in_dim3A_4 : f32 to vector<16xf32>
    %swap3A_6 = arith.constant 16 : index
    %swap3A_7 = tpu.vector_load %arg16[%swap3A_6] {strides = array<i32>} : memref<128xf32, #tpu.memory_space<vmem>>, vector<16xf32>,
    %swap3A_8 = vector.shape_cast %swap3A_7 : vector<16xf32> to vector<16xf32>
    %swap3A_9 = vector.shape_cast %broadcast_in_dim3A_5 : vector<16xf32> to vector<16xf32>
    tpu.vector_store %arg16[%swap3A_6], %swap3A_9 {strides = array<i32>} : memref<128xf32, #tpu.memory_space<vmem>>, vector<16xf32>,
    %broadcast_in_dim3A_10 = arith.constant 1.000000e+00 : f32
    %broadcast_in_dim3A_11 = vector.broadcast %broadcast_in_dim3A_10 : f32 to vector<16xf32>
    %swap3A_12 = arith.constant 32 : index
    %swap3A_13 = tpu.vector_load %arg16[%swap3A_12] {strides = array<i32>} : memref<128xf32, #tpu.memory_space<vmem>>, vector<16xf32>,
    %swap3A_14 = vector.shape_cast %swap3A_13 : vector<16xf32> to vector<16xf32>
    %swap3A_15 = vector.shape_cast %broadcast_in_dim3A_11 : vector<16xf32> to vector<16xf32>
    tpu.vector_store %arg16[%swap3A_12], %swap3A_15 {strides = array<i32>} : memref<128xf32, #tpu.memory_space<vmem>>, vector<16xf32>,
    %broadcast_in_dim3A_16 = arith.constant 1.000000e+00 : f32
    %broadcast_in_dim3A_17 = vector.broadcast %broadcast_in_dim3A_16 : f32 to vector<16xf32>
    %swap3A_18 = arith.constant 48 : index
    %swap3A_19 = tpu.vector_load %arg16[%swap3A_18] {strides = array<i32>} : memref<128xf32, #tpu.memory_space<vmem>>, vector<16xf32>,
    %swap3A_20 = vector.shape_cast %swap3A_19 : vector<16xf32> to vector<16xf32>
    %swap3A_21 = vector.shape_cast %broadcast_in_dim3A_17 : vector<16xf32> to vector<16xf32>
    tpu.vector_store %arg16[%swap3A_18], %swap3A_21 {strides = array<i32>} : memref<128xf32, #tpu.memory_space<vmem>>, vector<16xf32>,
    %broadcast_in_dim3A_22 = arith.constant 1.000000e+00 : f32
    %broadcast_in_dim3A_23 = vector.broadcast %broadcast_in_dim3A_22 : f32 to vector<16xf32>
    %swap3A_24 = arith.constant 64 : index
    %swap3A_25 = tpu.vector_load %arg16[%swap3A_24] {strides = array<i32>} : memref<128xf32, #tpu.memory_space<vmem>>, vector<16xf32>,
    %swap3A_26 = vector.shape_cast %swap3A_25 : vector<16xf32> to vector<16xf32>
    %swap3A_27 = vector.shape_cast %broadcast_in_dim3A_23 : vector<16xf32> to vector<16xf32>
    tpu.vector_store %arg16[%swap3A_24], %swap3A_27 {strides = array<i32>} : memref<128xf32, #tpu.memory_space<vmem>>, vector<16xf32>,
    %broadcast_in_dim3A_28 = arith.constant 1.000000e+00 : f32
    %broadcast_in_dim3A_29 = vector.broadcast %broadcast_in_dim3A_28 : f32 to vector<16xf32>
    %swap3A_30 = arith.constant 80 : index
    %swap3A_31 = tpu.vector_load %arg16[%swap3A_30] {strides = array<i32>} : memref<128xf32, #tpu.memory_space<vmem>>, vector<16xf32>,
    %swap3A_32 = vector.shape_cast %swap3A_31 : vector<16xf32> to vector<16xf32>
    %swap3A_33 = vector.shape_cast %broadcast_in_dim3A_29 : vector<16xf32> to vector<16xf32>
    tpu.vector_store %arg16[%swap3A_30], %swap3A_33 {strides = array<i32>} : memref<128xf32, #tpu.memory_space<vmem>>, vector<16xf32>,
    %broadcast_in_dim3A_34 = arith.constant 1.000000e+00 : f32
    %broadcast_in_dim3A_35 = vector.broadcast %broadcast_in_dim3A_34 : f32 to vector<16xf32>
    %swap3A_36 = arith.constant 96 : index
    %swap3A_37 = tpu.vector_load %arg16[%swap3A_36] {strides = array<i32>} : memref<128xf32, #tpu.memory_space<vmem>>, vector<16xf32>,
    %swap3A_38 = vector.shape_cast %swap3A_37 : vector<16xf32> to vector<16xf32>
    %swap3A_39 = vector.shape_cast %broadcast_in_dim3A_35 : vector<16xf32> to vector<16xf32>
    tpu.vector_store %arg16[%swap3A_36], %swap3A_39 {strides = array<i32>} : memref<128xf32, #tpu.memory_space<vmem>>, vector<16xf32>,
    %broadcast_in_dim3A_40 = arith.constant 1.000000e+00 : f32
    %broadcast_in_dim3A_41 = vector.broadcast %broadcast_in_dim3A_40 : f32 to vector<16xf32>
    %swap3A_42 = arith.constant 112 : index
    %swap3A_43 = tpu.vector_load %arg16[%swap3A_42] {strides = array<i32>} : memref<128xf32, #tpu.memory_space<vmem>>, vector<16xf32>,
    %swap3A_44 = vector.shape_cast %swap3A_43 : vector<16xf32> to vector<16xf32>
    %swap3A_45 = vector.shape_cast %broadcast_in_dim3A_41 : vector<16xf32> to vector<16xf32>
    tpu.vector_store %arg16[%swap3A_42], %swap3A_45 {strides = array<i32>} : memref<128xf32, #tpu.memory_space<vmem>>, vector<16xf32>,
    %mul3A = arith.constant 632 : i32
    %mul3A_46 = arith.muli %arg1, %mul3A : i32
    "tpu.region"() ({
      %run_scoped3A = tpu.sem_alloc : memref<!tpu.dma_semaphore, #tpu.memory_space<semaphore_mem>>
      %dma_start3A = arith.constant 0 : i32
      %dma_start3A_72 = tpu.memref_slice %arg11[%mul3A_46, %dma_start3A] : memref<10112x128xf32, #tpu.memory_space<vmem_shared>> -> memref<632x128xf32, #tpu.memory_space<vmem_shared>>
      tpu.enqueue_dma source(%arg5 : memref<632x128xf32, #tpu.memory_space<hbm>>) target(%dma_start3A_72 : memref<632x128xf32, #tpu.memory_space<vmem_shared>>) target_semaphore(%run_scoped3A : memref<!tpu.dma_semaphore, #tpu.memory_space<semaphore_mem>>)
      %dma_wait3A = arith.constant 0 : i32
      %dma_wait3A_73 = tpu.memref_slice %arg11[%mul3A_46, %dma_wait3A] : memref<10112x128xf32, #tpu.memory_space<vmem_shared>> -> memref<632x128xf32, #tpu.memory_space<vmem_shared>>
      tpu.wait_dma2 semaphore(%run_scoped3A : memref<!tpu.dma_semaphore, #tpu.memory_space<semaphore_mem>>) src(%arg5 : memref<632x128xf32, #tpu.memory_space<hbm>>) dst(%dma_wait3A_73 : memref<632x128xf32, #tpu.memory_space<vmem_shared>>)
      tpu.yield
    }) : () -> ()
    %eq3A = arith.constant 0 : i32
    %eq3A_47 = arith.cmpi eq, %arg1, %eq3A : i32
    %convert_element_type3A = arith.extui %eq3A_47 : i1 to i32
    %cond3A = arith.constant 0 : i32
    %cond3A_48 = arith.cmpi ne, %convert_element_type3A, %cond3A : i32
    scf.if %cond3A_48 {
      "tpu.region"() ({
        %run_scoped3A = tpu.sem_alloc : memref<!tpu.dma_semaphore, #tpu.memory_space<semaphore_mem>>
        tpu.enqueue_dma source(%arg6 : memref<10112xf32, #tpu.memory_space<hbm>>) target(%arg12 : memref<10112xf32, #tpu.memory_space<vmem_shared>>) target_semaphore(%run_scoped3A : memref<!tpu.dma_semaphore, #tpu.memory_space<semaphore_mem>>)
        tpu.wait_dma2 semaphore(%run_scoped3A : memref<!tpu.dma_semaphore, #tpu.memory_space<semaphore_mem>>) src(%arg6 : memref<10112xf32, #tpu.memory_space<hbm>>) dst(%arg12 : memref<10112xf32, #tpu.memory_space<vmem_shared>>)
        tpu.yield
      }) : () -> ()
    } else {
    }
    %barrier3A = arith.constant 0 : index
    tpu.barrier barrier_id(%barrier3A)
    %eq3A_49 = arith.constant 0 : i32
    %eq3A_50 = arith.cmpi eq, %arg0, %eq3A_49 : i32
    %convert_element_type3A_51 = arith.extui %eq3A_50 : i1 to i32
    %cond3A_52 = arith.constant 0 : i32
    %cond3A_53 = arith.cmpi ne, %convert_element_type3A_51, %cond3A_52 : i32
    scf.if %cond3A_53 {
      %mul3A_72 = arith.constant 20096 : i32
      %mul3A_73 = arith.muli %arg1, %mul3A_72 : i32
      %dma_start3A = arith.constant 0 : i32
      %dma_start3A_74 = arith.constant 0 : i32
      %dma_start3A_75 = tpu.memref_slice %arg5[%dma_start3A, %dma_start3A_74] : memref<632x128xf32, #tpu.memory_space<hbm>> -> memref<128x128xf32, #tpu.memory_space<hbm>>
      %dma_start3A_76 = arith.constant 0 : i32
      %dma_start3A_77 = arith.constant 0 : i32
      %dma_start3A_78 = tpu.memref_slice %arg5[%dma_start3A_76, %dma_start3A_77] : memref<632x128xf32, #tpu.memory_space<hbm>> -> memref<128x128xf32, #tpu.memory_space<hbm>>
      tpu.enqueue_dma source(%dma_start3A_78 : memref<128x128xf32, #tpu.memory_space<hbm>>) target(%arg15 : memref<128x128xf32, #tpu.memory_space<vmem>>) target_semaphore(%arg18 : memref<!tpu.dma_semaphore, #tpu.memory_space<semaphore_mem>>)
      %scan3A = arith.constant 0 : i32
      %scan3A_79 = arith.constant 157 : i32
      %scan3A_80 = arith.addi %scan3A, %scan3A_79 : i32
      %scan3A_81 = arith.constant 1 : i32
      scf.for %scan3A_85 = %scan3A to %scan3A_80 step %scan3A_81  : i32 {
        %mul3A_86 = arith.constant 128 : i32
        %mul3A_87 = arith.muli %scan3A_85, %mul3A_86 : i32
        %add3A = arith.addi %mul3A_73, %mul3A_87 : i32
        "tpu.region"() ({
          %run_scoped3A = tpu.sem_alloc : memref<!tpu.dma_semaphore, #tpu.memory_space<semaphore_mem>>
          %dma_start3A_100 = tpu.memref_slice %arg3[%add3A] : memref<321536xi32, #tpu.memory_space<hbm>> -> memref<128xi32, #tpu.memory_space<hbm>>
          %dma_start3A_101 = tpu.memref_slice %arg3[%add3A] : memref<321536xi32, #tpu.memory_space<hbm>> -> memref<128xi32, #tpu.memory_space<hbm>>
          tpu.enqueue_dma source(%dma_start3A_101 : memref<128xi32, #tpu.memory_space<hbm>>) target(%arg13 : memref<128xi32, #tpu.memory_space<vmem>>) target_semaphore(%run_scoped3A : memref<!tpu.dma_semaphore, #tpu.memory_space<semaphore_mem>>)
          %dma_wait3A_102 = tpu.memref_slice %arg3[%add3A] : memref<321536xi32, #tpu.memory_space<hbm>> -> memref<128xi32, #tpu.memory_space<hbm>>
          %dma_wait3A_103 = tpu.memref_slice %arg3[%add3A] : memref<321536xi32, #tpu.memory_space<hbm>> -> memref<128xi32, #tpu.memory_space<hbm>>
          tpu.wait_dma2 semaphore(%run_scoped3A : memref<!tpu.dma_semaphore, #tpu.memory_space<semaphore_mem>>) src(%dma_wait3A_103 : memref<128xi32, #tpu.memory_space<hbm>>) dst(%arg13 : memref<128xi32, #tpu.memory_space<vmem>>)
          tpu.yield
        }) : () -> ()
        %dma_wait3A_88 = arith.constant 0 : i32
        %dma_wait3A_89 = arith.constant 0 : i32
        %dma_wait3A_90 = tpu.memref_slice %arg11[%dma_wait3A_88, %dma_wait3A_89] : memref<10112x128xf32, #tpu.memory_space<vmem_shared>> -> memref<10112x128xf32, #tpu.memory_space<vmem_shared>>
        tpu.wait_indirect_dma semaphore(%arg18 : memref<!tpu.dma_semaphore, #tpu.memory_space<semaphore_mem>>) src(%arg15 : memref<128x128xf32, #tpu.memory_space<vmem>>) dst(%dma_wait3A_90 : memref<10112x128xf32, #tpu.memory_space<vmem_shared>>)
        %dma_start3A_91 = arith.constant 0 : i32
        %dma_start3A_92 = arith.constant 0 : i32
        %dma_start3A_93 = tpu.memref_slice %arg2[%dma_start3A_91, %dma_start3A_92] : memref<10016x128xf32, #tpu.memory_space<hbm>> -> memref<10016x128xf32, #tpu.memory_space<hbm>>
        tpu.enqueue_indirect_dma source(%dma_start3A_93 : memref<10016x128xf32, #tpu.memory_space<hbm>>) target(%arg15 : memref<128x128xf32, #tpu.memory_space<vmem>>) offsets(%arg13 : memref<128xi32, #tpu.memory_space<vmem>>) semaphore(%arg17 : memref<!tpu.dma_semaphore, #tpu.memory_space<semaphore_mem>>)
        "tpu.region"() ({
          %run_scoped3A = tpu.sem_alloc : memref<!tpu.dma_semaphore, #tpu.memory_space<semaphore_mem>>
          %dma_start3A_100 = tpu.memref_slice %arg4[%add3A] : memref<321536xi32, #tpu.memory_space<hbm>> -> memref<128xi32, #tpu.memory_space<hbm>>
          %dma_start3A_101 = tpu.memref_slice %arg4[%add3A] : memref<321536xi32, #tpu.memory_space<hbm>> -> memref<128xi32, #tpu.memory_space<hbm>>
          tpu.enqueue_dma source(%dma_start3A_101 : memref<128xi32, #tpu.memory_space<hbm>>) target(%arg14 : memref<128xi32, #tpu.memory_space<vmem>>) target_semaphore(%run_scoped3A : memref<!tpu.dma_semaphore, #tpu.memory_space<semaphore_mem>>)
          %dma_wait3A_102 = tpu.memref_slice %arg4[%add3A] : memref<321536xi32, #tpu.memory_space<hbm>> -> memref<128xi32, #tpu.memory_space<hbm>>
          %dma_wait3A_103 = tpu.memref_slice %arg4[%add3A] : memref<321536xi32, #tpu.memory_space<hbm>> -> memref<128xi32, #tpu.memory_space<hbm>>
          tpu.wait_dma2 semaphore(%run_scoped3A : memref<!tpu.dma_semaphore, #tpu.memory_space<semaphore_mem>>) src(%dma_wait3A_103 : memref<128xi32, #tpu.memory_space<hbm>>) dst(%arg14 : memref<128xi32, #tpu.memory_space<vmem>>)
          tpu.yield
        }) : () -> ()
        "tpu.region"() ({
          %run_scoped3A = tpu.sem_alloc : memref<!tpu.dma_semaphore, #tpu.memory_space<semaphore_mem>>
          %dma_start3A_100 = arith.constant 0 : i32
          %dma_start3A_101 = tpu.memref_slice %arg12[%dma_start3A_100] : memref<10112xf32, #tpu.memory_space<vmem_shared>> -> memref<10112xf32, #tpu.memory_space<vmem_shared>>
          tpu.enqueue_indirect_dma source(%arg16 : memref<128xf32, #tpu.memory_space<vmem>>) target(%dma_start3A_101 : memref<10112xf32, #tpu.memory_space<vmem_shared>>) offsets(%arg14 : memref<128xi32, #tpu.memory_space<vmem>>) semaphore(%run_scoped3A : memref<!tpu.dma_semaphore, #tpu.memory_space<semaphore_mem>>) {add = true}
          %dma_wait3A_102 = arith.constant 0 : i32
          %dma_wait3A_103 = tpu.memref_slice %arg12[%dma_wait3A_102] : memref<10112xf32, #tpu.memory_space<vmem_shared>> -> memref<10112xf32, #tpu.memory_space<vmem_shared>>
          tpu.wait_indirect_dma semaphore(%run_scoped3A : memref<!tpu.dma_semaphore, #tpu.memory_space<semaphore_mem>>) src(%arg16 : memref<128xf32, #tpu.memory_space<vmem>>) dst(%dma_wait3A_103 : memref<10112xf32, #tpu.memory_space<vmem_shared>>)
          tpu.yield
        }) : () -> ()
        %dma_wait3A_94 = arith.constant 0 : i32
        %dma_wait3A_95 = arith.constant 0 : i32
        %dma_wait3A_96 = tpu.memref_slice %arg2[%dma_wait3A_94, %dma_wait3A_95] : memref<10016x128xf32, #tpu.memory_space<hbm>> -> memref<10016x128xf32, #tpu.memory_space<hbm>>
        tpu.wait_indirect_dma semaphore(%arg17 : memref<!tpu.dma_semaphore, #tpu.memory_space<semaphore_mem>>) src(%dma_wait3A_96 : memref<10016x128xf32, #tpu.memory_space<hbm>>) dst(%arg15 : memref<128x128xf32, #tpu.memory_space<vmem>>)
        %dma_start3A_97 = arith.constant 0 : i32
        %dma_start3A_98 = arith.constant 0 : i32
        %dma_start3A_99 = tpu.memref_slice %arg11[%dma_start3A_97, %dma_start3A_98] : memref<10112x128xf32, #tpu.memory_space<vmem_shared>> -> memref<10112x128xf32, #tpu.memory_space<vmem_shared>>
        tpu.enqueue_indirect_dma source(%arg15 : memref<128x128xf32, #tpu.memory_space<vmem>>) target(%dma_start3A_99 : memref<10112x128xf32, #tpu.memory_space<vmem_shared>>) offsets(%arg14 : memref<128xi32, #tpu.memory_space<vmem>>) semaphore(%arg18 : memref<!tpu.dma_semaphore, #tpu.memory_space<semaphore_mem>>) {add = true}
      }
      %scan3A_82 = arith.constant 157 : i32
      %dma_wait3A = arith.constant 0 : i32
      %dma_wait3A_83 = arith.constant 0 : i32
      %dma_wait3A_84 = tpu.memref_slice %arg11[%dma_wait3A, %dma_wait3A_83] : memref<10112x128xf32, #tpu.memory_space<vmem_shared>> -> memref<10112x128xf32, #tpu.memory_space<vmem_shared>>
      tpu.wait_indirect_dma semaphore(%arg18 : memref<!tpu.dma_semaphore, #tpu.memory_space<semaphore_mem>>) src(%arg15 : memref<128x128xf32, #tpu.memory_space<vmem>>) dst(%dma_wait3A_84 : memref<10112x128xf32, #tpu.memory_space<vmem_shared>>)
    } else {
    }
    %eq3A_54 = arith.constant 1 : i32
    %eq3A_55 = arith.cmpi eq, %arg0, %eq3A_54 : i32
    %convert_element_type3A_56 = arith.extui %eq3A_55 : i1 to i32
    %cond3A_57 = arith.constant 0 : i32
    %cond3A_58 = arith.cmpi ne, %convert_element_type3A_56, %cond3A_57 : i32
    scf.if %cond3A_58 {
      %mul3A_72 = arith.constant 20096 : i32
      %mul3A_73 = arith.muli %arg1, %mul3A_72 : i32
      %dma_start3A = arith.constant 0 : i32
      %dma_start3A_74 = arith.constant 0 : i32
      %dma_start3A_75 = tpu.memref_slice %arg5[%dma_start3A, %dma_start3A_74] : memref<632x128xf32, #tpu.memory_space<hbm>> -> memref<128x128xf32, #tpu.memory_space<hbm>>
      %dma_start3A_76 = arith.constant 0 : i32
      %dma_start3A_77 = arith.constant 0 : i32
      %dma_start3A_78 = tpu.memref_slice %arg5[%dma_start3A_76, %dma_start3A_77] : memref<632x128xf32, #tpu.memory_space<hbm>> -> memref<128x128xf32, #tpu.memory_space<hbm>>
      tpu.enqueue_dma source(%dma_start3A_78 : memref<128x128xf32, #tpu.memory_space<hbm>>) target(%arg15 : memref<128x128xf32, #tpu.memory_space<vmem>>) target_semaphore(%arg18 : memref<!tpu.dma_semaphore, #tpu.memory_space<semaphore_mem>>)
      %scan3A = arith.constant 0 : i32
      %scan3A_79 = arith.constant 157 : i32
      %scan3A_80 = arith.addi %scan3A, %scan3A_79 : i32
      %scan3A_81 = arith.constant 1 : i32
      scf.for %scan3A_85 = %scan3A to %scan3A_80 step %scan3A_81  : i32 {
        %mul3A_86 = arith.constant 128 : i32
        %mul3A_87 = arith.muli %scan3A_85, %mul3A_86 : i32
        %add3A = arith.addi %mul3A_73, %mul3A_87 : i32
        "tpu.region"() ({
          %run_scoped3A = tpu.sem_alloc : memref<!tpu.dma_semaphore, #tpu.memory_space<semaphore_mem>>
          %dma_start3A_100 = tpu.memref_slice %arg4[%add3A] : memref<321536xi32, #tpu.memory_space<hbm>> -> memref<128xi32, #tpu.memory_space<hbm>>
          %dma_start3A_101 = tpu.memref_slice %arg4[%add3A] : memref<321536xi32, #tpu.memory_space<hbm>> -> memref<128xi32, #tpu.memory_space<hbm>>
          tpu.enqueue_dma source(%dma_start3A_101 : memref<128xi32, #tpu.memory_space<hbm>>) target(%arg13 : memref<128xi32, #tpu.memory_space<vmem>>) target_semaphore(%run_scoped3A : memref<!tpu.dma_semaphore, #tpu.memory_space<semaphore_mem>>)
          %dma_wait3A_102 = tpu.memref_slice %arg4[%add3A] : memref<321536xi32, #tpu.memory_space<hbm>> -> memref<128xi32, #tpu.memory_space<hbm>>
          %dma_wait3A_103 = tpu.memref_slice %arg4[%add3A] : memref<321536xi32, #tpu.memory_space<hbm>> -> memref<128xi32, #tpu.memory_space<hbm>>
          tpu.wait_dma2 semaphore(%run_scoped3A : memref<!tpu.dma_semaphore, #tpu.memory_space<semaphore_mem>>) src(%dma_wait3A_103 : memref<128xi32, #tpu.memory_space<hbm>>) dst(%arg13 : memref<128xi32, #tpu.memory_space<vmem>>)
          tpu.yield
        }) : () -> ()
        %dma_wait3A_88 = arith.constant 0 : i32
        %dma_wait3A_89 = arith.constant 0 : i32
        %dma_wait3A_90 = tpu.memref_slice %arg11[%dma_wait3A_88, %dma_wait3A_89] : memref<10112x128xf32, #tpu.memory_space<vmem_shared>> -> memref<10112x128xf32, #tpu.memory_space<vmem_shared>>
        tpu.wait_indirect_dma semaphore(%arg18 : memref<!tpu.dma_semaphore, #tpu.memory_space<semaphore_mem>>) src(%arg15 : memref<128x128xf32, #tpu.memory_space<vmem>>) dst(%dma_wait3A_90 : memref<10112x128xf32, #tpu.memory_space<vmem_shared>>)
        %dma_start3A_91 = arith.constant 0 : i32
        %dma_start3A_92 = arith.constant 0 : i32
        %dma_start3A_93 = tpu.memref_slice %arg2[%dma_start3A_91, %dma_start3A_92] : memref<10016x128xf32, #tpu.memory_space<hbm>> -> memref<10016x128xf32, #tpu.memory_space<hbm>>
        tpu.enqueue_indirect_dma source(%dma_start3A_93 : memref<10016x128xf32, #tpu.memory_space<hbm>>) target(%arg15 : memref<128x128xf32, #tpu.memory_space<vmem>>) offsets(%arg13 : memref<128xi32, #tpu.memory_space<vmem>>) semaphore(%arg17 : memref<!tpu.dma_semaphore, #tpu.memory_space<semaphore_mem>>)
        "tpu.region"() ({
          %run_scoped3A = tpu.sem_alloc : memref<!tpu.dma_semaphore, #tpu.memory_space<semaphore_mem>>
          %dma_start3A_100 = tpu.memref_slice %arg3[%add3A] : memref<321536xi32, #tpu.memory_space<hbm>> -> memref<128xi32, #tpu.memory_space<hbm>>
          %dma_start3A_101 = tpu.memref_slice %arg3[%add3A] : memref<321536xi32, #tpu.memory_space<hbm>> -> memref<128xi32, #tpu.memory_space<hbm>>
          tpu.enqueue_dma source(%dma_start3A_101 : memref<128xi32, #tpu.memory_space<hbm>>) target(%arg14 : memref<128xi32, #tpu.memory_space<vmem>>) target_semaphore(%run_scoped3A : memref<!tpu.dma_semaphore, #tpu.memory_space<semaphore_mem>>)
          %dma_wait3A_102 = tpu.memref_slice %arg3[%add3A] : memref<321536xi32, #tpu.memory_space<hbm>> -> memref<128xi32, #tpu.memory_space<hbm>>
          %dma_wait3A_103 = tpu.memref_slice %arg3[%add3A] : memref<321536xi32, #tpu.memory_space<hbm>> -> memref<128xi32, #tpu.memory_space<hbm>>
          tpu.wait_dma2 semaphore(%run_scoped3A : memref<!tpu.dma_semaphore, #tpu.memory_space<semaphore_mem>>) src(%dma_wait3A_103 : memref<128xi32, #tpu.memory_space<hbm>>) dst(%arg14 : memref<128xi32, #tpu.memory_space<vmem>>)
          tpu.yield
        }) : () -> ()
        "tpu.region"() ({
          %run_scoped3A = tpu.sem_alloc : memref<!tpu.dma_semaphore, #tpu.memory_space<semaphore_mem>>
          %dma_start3A_100 = arith.constant 0 : i32
          %dma_start3A_101 = tpu.memref_slice %arg12[%dma_start3A_100] : memref<10112xf32, #tpu.memory_space<vmem_shared>> -> memref<10112xf32, #tpu.memory_space<vmem_shared>>
          tpu.enqueue_indirect_dma source(%arg16 : memref<128xf32, #tpu.memory_space<vmem>>) target(%dma_start3A_101 : memref<10112xf32, #tpu.memory_space<vmem_shared>>) offsets(%arg14 : memref<128xi32, #tpu.memory_space<vmem>>) semaphore(%run_scoped3A : memref<!tpu.dma_semaphore, #tpu.memory_space<semaphore_mem>>) {add = true}
          %dma_wait3A_102 = arith.constant 0 : i32
          %dma_wait3A_103 = tpu.memref_slice %arg12[%dma_wait3A_102] : memref<10112xf32, #tpu.memory_space<vmem_shared>> -> memref<10112xf32, #tpu.memory_space<vmem_shared>>
          tpu.wait_indirect_dma semaphore(%run_scoped3A : memref<!tpu.dma_semaphore, #tpu.memory_space<semaphore_mem>>) src(%arg16 : memref<128xf32, #tpu.memory_space<vmem>>) dst(%dma_wait3A_103 : memref<10112xf32, #tpu.memory_space<vmem_shared>>)
          tpu.yield
        }) : () -> ()
        %dma_wait3A_94 = arith.constant 0 : i32
        %dma_wait3A_95 = arith.constant 0 : i32
        %dma_wait3A_96 = tpu.memref_slice %arg2[%dma_wait3A_94, %dma_wait3A_95] : memref<10016x128xf32, #tpu.memory_space<hbm>> -> memref<10016x128xf32, #tpu.memory_space<hbm>>
        tpu.wait_indirect_dma semaphore(%arg17 : memref<!tpu.dma_semaphore, #tpu.memory_space<semaphore_mem>>) src(%dma_wait3A_96 : memref<10016x128xf32, #tpu.memory_space<hbm>>) dst(%arg15 : memref<128x128xf32, #tpu.memory_space<vmem>>)
        %dma_start3A_97 = arith.constant 0 : i32
        %dma_start3A_98 = arith.constant 0 : i32
        %dma_start3A_99 = tpu.memref_slice %arg11[%dma_start3A_97, %dma_start3A_98] : memref<10112x128xf32, #tpu.memory_space<vmem_shared>> -> memref<10112x128xf32, #tpu.memory_space<vmem_shared>>
        tpu.enqueue_indirect_dma source(%arg15 : memref<128x128xf32, #tpu.memory_space<vmem>>) target(%dma_start3A_99 : memref<10112x128xf32, #tpu.memory_space<vmem_shared>>) offsets(%arg14 : memref<128xi32, #tpu.memory_space<vmem>>) semaphore(%arg18 : memref<!tpu.dma_semaphore, #tpu.memory_space<semaphore_mem>>) {add = true}
      }
      %scan3A_82 = arith.constant 157 : i32
      %dma_wait3A = arith.constant 0 : i32
      %dma_wait3A_83 = arith.constant 0 : i32
      %dma_wait3A_84 = tpu.memref_slice %arg11[%dma_wait3A, %dma_wait3A_83] : memref<10112x128xf32, #tpu.memory_space<vmem_shared>> -> memref<10112x128xf32, #tpu.memory_space<vmem_shared>>
      tpu.wait_indirect_dma semaphore(%arg18 : memref<!tpu.dma_semaphore, #tpu.memory_space<semaphore_mem>>) src(%arg15 : memref<128x128xf32, #tpu.memory_space<vmem>>) dst(%dma_wait3A_84 : memref<10112x128xf32, #tpu.memory_space<vmem_shared>>)
    } else {
    }
    %barrier3A_59 = arith.constant 0 : index
    tpu.barrier barrier_id(%barrier3A_59)
    %mul3A_60 = arith.constant 632 : i32
    %mul3A_61 = arith.muli %arg1, %mul3A_60 : i32
    %eq3A_62 = arith.constant 0 : i32
    %eq3A_63 = arith.cmpi eq, %arg0, %eq3A_62 : i32
    %convert_element_type3A_64 = arith.extui %eq3A_63 : i1 to i32
    %cond3A_65 = arith.constant 0 : i32
    %cond3A_66 = arith.cmpi ne, %convert_element_type3A_64, %cond3A_65 : i32
    scf.if %cond3A_66 {
      "tpu.region"() ({
        %run_scoped3A = tpu.sem_alloc : memref<!tpu.dma_semaphore, #tpu.memory_space<semaphore_mem>>
        %dma_start3A = arith.constant 0 : i32
        %dma_start3A_77 = tpu.memref_slice %arg7[%mul3A_61, %dma_start3A] : memref<10112x128xf32, #tpu.memory_space<hbm>> -> memref<632x128xf32, #tpu.memory_space<hbm>>
        %dma_start3A_78 = arith.constant 0 : i32
        %dma_start3A_79 = tpu.memref_slice %arg11[%mul3A_61, %dma_start3A_78] : memref<10112x128xf32, #tpu.memory_space<vmem_shared>> -> memref<632x128xf32, #tpu.memory_space<vmem_shared>>
        tpu.enqueue_dma source(%dma_start3A_79 : memref<632x128xf32, #tpu.memory_space<vmem_shared>>) target(%dma_start3A_77 : memref<632x128xf32, #tpu.memory_space<hbm>>) target_semaphore(%run_scoped3A : memref<!tpu.dma_semaphore, #tpu.memory_space<semaphore_mem>>)
        %dma_wait3A = arith.constant 0 : i32
        %dma_wait3A_80 = tpu.memref_slice %arg7[%mul3A_61, %dma_wait3A] : memref<10112x128xf32, #tpu.memory_space<hbm>> -> memref<632x128xf32, #tpu.memory_space<hbm>>
        %dma_wait3A_81 = arith.constant 0 : i32
        %dma_wait3A_82 = tpu.memref_slice %arg11[%mul3A_61, %dma_wait3A_81] : memref<10112x128xf32, #tpu.memory_space<vmem_shared>> -> memref<632x128xf32, #tpu.memory_space<vmem_shared>>
        tpu.wait_dma2 semaphore(%run_scoped3A : memref<!tpu.dma_semaphore, #tpu.memory_space<semaphore_mem>>) src(%dma_wait3A_82 : memref<632x128xf32, #tpu.memory_space<vmem_shared>>) dst(%dma_wait3A_80 : memref<632x128xf32, #tpu.memory_space<hbm>>)
        tpu.yield
      }) : () -> ()
      %eq3A_72 = arith.constant 0 : i32
      %eq3A_73 = arith.cmpi eq, %arg1, %eq3A_72 : i32
      %convert_element_type3A_74 = arith.extui %eq3A_73 : i1 to i32
      %cond3A_75 = arith.constant 0 : i32
      %cond3A_76 = arith.cmpi ne, %convert_element_type3A_74, %cond3A_75 : i32
      scf.if %cond3A_76 {
        "tpu.region"() ({
          %run_scoped3A = tpu.sem_alloc : memref<!tpu.dma_semaphore, #tpu.memory_space<semaphore_mem>>
          tpu.enqueue_dma source(%arg12 : memref<10112xf32, #tpu.memory_space<vmem_shared>>) target(%arg8 : memref<10112xf32, #tpu.memory_space<hbm>>) target_semaphore(%run_scoped3A : memref<!tpu.dma_semaphore, #tpu.memory_space<semaphore_mem>>)
          tpu.wait_dma2 semaphore(%run_scoped3A : memref<!tpu.dma_semaphore, #tpu.memory_space<semaphore_mem>>) src(%arg12 : memref<10112xf32, #tpu.memory_space<vmem_shared>>) dst(%arg8 : memref<10112xf32, #tpu.memory_space<hbm>>)
          tpu.yield
        }) : () -> ()
      } else {
      }
    } else {
    }
    %eq3A_67 = arith.constant 1 : i32
    %eq3A_68 = arith.cmpi eq, %arg0, %eq3A_67 : i32
    %convert_element_type3A_69 = arith.extui %eq3A_68 : i1 to i32
    %cond3A_70 = arith.constant 0 : i32
    %cond3A_71 = arith.cmpi ne, %convert_element_type3A_69, %cond3A_70 : i32
    scf.if %cond3A_71 {
      "tpu.region"() ({
        %run_scoped3A = tpu.sem_alloc : memref<!tpu.dma_semaphore, #tpu.memory_space<semaphore_mem>>
        %dma_start3A = arith.constant 0 : i32
        %dma_start3A_77 = tpu.memref_slice %arg9[%mul3A_61, %dma_start3A] : memref<10112x128xf32, #tpu.memory_space<hbm>> -> memref<632x128xf32, #tpu.memory_space<hbm>>
        %dma_start3A_78 = arith.constant 0 : i32
        %dma_start3A_79 = tpu.memref_slice %arg11[%mul3A_61, %dma_start3A_78] : memref<10112x128xf32, #tpu.memory_space<vmem_shared>> -> memref<632x128xf32, #tpu.memory_space<vmem_shared>>
        tpu.enqueue_dma source(%dma_start3A_79 : memref<632x128xf32, #tpu.memory_space<vmem_shared>>) target(%dma_start3A_77 : memref<632x128xf32, #tpu.memory_space<hbm>>) target_semaphore(%run_scoped3A : memref<!tpu.dma_semaphore, #tpu.memory_space<semaphore_mem>>)
        %dma_wait3A = arith.constant 0 : i32
        %dma_wait3A_80 = tpu.memref_slice %arg9[%mul3A_61, %dma_wait3A] : memref<10112x128xf32, #tpu.memory_space<hbm>> -> memref<632x128xf32, #tpu.memory_space<hbm>>
        %dma_wait3A_81 = arith.constant 0 : i32
        %dma_wait3A_82 = tpu.memref_slice %arg11[%mul3A_61, %dma_wait3A_81] : memref<10112x128xf32, #tpu.memory_space<vmem_shared>> -> memref<632x128xf32, #tpu.memory_space<vmem_shared>>
        tpu.wait_dma2 semaphore(%run_scoped3A : memref<!tpu.dma_semaphore, #tpu.memory_space<semaphore_mem>>) src(%dma_wait3A_82 : memref<632x128xf32, #tpu.memory_space<vmem_shared>>) dst(%dma_wait3A_80 : memref<632x128xf32, #tpu.memory_space<hbm>>)
        tpu.yield
      }) : () -> ()
      %eq3A_72 = arith.constant 0 : i32
      %eq3A_73 = arith.cmpi eq, %arg1, %eq3A_72 : i32
      %convert_element_type3A_74 = arith.extui %eq3A_73 : i1 to i32
      %cond3A_75 = arith.constant 0 : i32
      %cond3A_76 = arith.cmpi ne, %convert_element_type3A_74, %cond3A_75 : i32
      scf.if %cond3A_76 {
        "tpu.region"() ({
          %run_scoped3A = tpu.sem_alloc : memref<!tpu.dma_semaphore, #tpu.memory_space<semaphore_mem>>
          tpu.enqueue_dma source(%arg12 : memref<10112xf32, #tpu.memory_space<vmem_shared>>) target(%arg10 : memref<10112xf32, #tpu.memory_space<hbm>>) target_semaphore(%run_scoped3A : memref<!tpu.dma_semaphore, #tpu.memory_space<semaphore_mem>>)
          tpu.wait_dma2 semaphore(%run_scoped3A : memref<!tpu.dma_semaphore, #tpu.memory_space<semaphore_mem>>) src(%arg12 : memref<10112xf32, #tpu.memory_space<vmem_shared>>) dst(%arg10 : memref<10112xf32, #tpu.memory_space<hbm>>)
          tpu.yield
        }) : () -> ()
      } else {
      }
    } else {
    }
    return
  }
}

module attributes {stable_mosaic.version = 14 : i64} {
  func.func @_tc_combine_body(%arg0: i32, %arg1: memref<1000x128xf32, #tpu.memory_space<vmem>>, %arg2: memref<128x128xf32, #tpu.memory_space<vmem>>, %arg3: memref<128x128xf32, #tpu.memory_space<vmem>>, %arg4: memref<128x128xf32, #tpu.memory_space<vmem>>, %arg5: memref<8x128xf32, #tpu.memory_space<vmem>>, %arg6: memref<1000x128xf32, #tpu.memory_space<vmem>>, %arg7: memref<1000x1xf32, #tpu.memory_space<vmem>>, %arg8: memref<1000x128xf32, #tpu.memory_space<vmem>>, %arg9: memref<1000x1xf32, #tpu.memory_space<vmem>>, %arg10: memref<1000x128xf32, #tpu.memory_space<vmem>>) attributes {dimension_semantics = [#tpu.dimension_semantics<arbitrary>], iteration_bounds = array<i64: 10>, scalar_prefetch = 0 : i64, scratch_operands = 0 : i64, tpu.core_type = #tpu.core_type<tc>, window_params = [{transform_indices = @transform_0, window_bounds = array<i64: 1000, 128>}, {pipeline_mode = #tpu.pipeline_mode<synchronous>, transform_indices = @transform_1, window_bounds = array<i64: 128, 128>}, {pipeline_mode = #tpu.pipeline_mode<synchronous>, transform_indices = @transform_2, window_bounds = array<i64: 128, 128>}, {pipeline_mode = #tpu.pipeline_mode<synchronous>, transform_indices = @transform_3, window_bounds = array<i64: 128, 128>}, {pipeline_mode = #tpu.pipeline_mode<synchronous>, transform_indices = @transform_4, window_bounds = array<i64: 8, 128>}, {transform_indices = @transform_5, window_bounds = array<i64: 1000, 128>}, {transform_indices = @transform_6, window_bounds = array<i64: 1000, 1>}, {transform_indices = @transform_7, window_bounds = array<i64: 1000, 128>}, {transform_indices = @transform_8, window_bounds = array<i64: 1000, 1>}, {transform_indices = @transform_9, window_bounds = array<i64: 1000, 128>}]} {
    %get3A = arith.constant 0 : index
    %get3A_0 = arith.constant 0 : index
    %get3A_1 = vector.load %arg1[%get3A, %get3A_0] : memref<1000x128xf32, #tpu.memory_space<vmem>>, vector<1000x128xf32>
    %get3A_2 = arith.constant 0 : index
    %get3A_3 = arith.constant 0 : index
    %get3A_4 = vector.load %arg6[%get3A_2, %get3A_3] : memref<1000x128xf32, #tpu.memory_space<vmem>>, vector<1000x128xf32>
    %get3A_5 = arith.constant 0 : index
    %get3A_6 = arith.constant 0 : index
    %get3A_7 = vector.load %arg7[%get3A_5, %get3A_6] : memref<1000x1xf32, #tpu.memory_space<vmem>>, vector<1000x1xf32>
    %max3A = arith.constant 1.000000e+00 : f32
    %max3A_8 = vector.broadcast %max3A : f32 to vector<1000x1xf32>
    %max3A_9 = arith.maximumf %get3A_7, %max3A_8 : vector<1000x1xf32>
    %div3A = vector.broadcast %max3A_9 : vector<1000x1xf32> to vector<1000x128xf32>
    %div3A_10 = arith.divf %get3A_4, %div3A : vector<1000x128xf32>
    %get3A_11 = arith.constant 0 : index
    %get3A_12 = arith.constant 0 : index
    %get3A_13 = vector.load %arg8[%get3A_11, %get3A_12] : memref<1000x128xf32, #tpu.memory_space<vmem>>, vector<1000x128xf32>
    %get3A_14 = arith.constant 0 : index
    %get3A_15 = arith.constant 0 : index
    %get3A_16 = vector.load %arg9[%get3A_14, %get3A_15] : memref<1000x1xf32, #tpu.memory_space<vmem>>, vector<1000x1xf32>
    %max3A_17 = arith.constant 1.000000e+00 : f32
    %max3A_18 = vector.broadcast %max3A_17 : f32 to vector<1000x1xf32>
    %max3A_19 = arith.maximumf %get3A_16, %max3A_18 : vector<1000x1xf32>
    %div3A_20 = vector.broadcast %max3A_19 : vector<1000x1xf32> to vector<1000x128xf32>
    %div3A_21 = arith.divf %get3A_13, %div3A_20 : vector<1000x128xf32>
    %get3A_22 = arith.constant 0 : index
    %get3A_23 = arith.constant 0 : index
    %get3A_24 = vector.load %arg4[%get3A_22, %get3A_23] : memref<128x128xf32, #tpu.memory_space<vmem>>, vector<128x128xf32>
    %dot_general3A = arith.constant dense<0.000000e+00> : vector<1000x128xf32>
    %dot_general3A_25 = tpu.matmul %get3A_1, %get3A_24, %dot_general3A {dimension_numbers = #tpu.dot_dimension_numbers<[1], [1], [0], [0], [0, 0, 1, 0], [], []>, precision = #tpu.contract_precision<fp32>, transpose_lhs_hint = false} : vector<1000x128xf32>, vector<128x128xf32>, vector<1000x128xf32> -> vector<1000x128xf32>
    %get3A_26 = arith.constant 0 : index
    %get3A_27 = arith.constant 0 : index
    %get3A_28 = vector.load %arg5[%get3A_26, %get3A_27] : memref<8x128xf32, #tpu.memory_space<vmem>>, vector<1x128xf32>
    %get3A_29 = vector.shape_cast %get3A_28 : vector<1x128xf32> to vector<128xf32>
    %broadcast_in_dim3A = vector.shape_cast %get3A_29 : vector<128xf32> to vector<1x128xf32>
    %add3A = vector.broadcast %broadcast_in_dim3A : vector<1x128xf32> to vector<1000x128xf32>
    %add3A_30 = arith.addf %dot_general3A_25, %add3A : vector<1000x128xf32>
    %get3A_31 = arith.constant 0 : index
    %get3A_32 = arith.constant 0 : index
    %get3A_33 = vector.load %arg2[%get3A_31, %get3A_32] : memref<128x128xf32, #tpu.memory_space<vmem>>, vector<128x128xf32>
    %dot_general3A_34 = arith.constant dense<0.000000e+00> : vector<1000x128xf32>
    %dot_general3A_35 = tpu.matmul %div3A_10, %get3A_33, %dot_general3A_34 {dimension_numbers = #tpu.dot_dimension_numbers<[1], [1], [0], [0], [0, 0, 1, 0], [], []>, precision = #tpu.contract_precision<fp32>, transpose_lhs_hint = false} : vector<1000x128xf32>, vector<128x128xf32>, vector<1000x128xf32> -> vector<1000x128xf32>
    %mul3A = arith.constant 5.000000e-01 : f32
    %mul3A_36 = vector.broadcast %mul3A : f32 to vector<1000x128xf32>
    %mul3A_37 = arith.mulf %mul3A_36, %dot_general3A_35 : vector<1000x128xf32>
    %add3A_38 = arith.addf %add3A_30, %mul3A_37 : vector<1000x128xf32>
    %get3A_39 = arith.constant 0 : index
    %get3A_40 = arith.constant 0 : index
    %get3A_41 = vector.load %arg3[%get3A_39, %get3A_40] : memref<128x128xf32, #tpu.memory_space<vmem>>, vector<128x128xf32>
    %dot_general3A_42 = arith.constant dense<0.000000e+00> : vector<1000x128xf32>
    %dot_general3A_43 = tpu.matmul %div3A_21, %get3A_41, %dot_general3A_42 {dimension_numbers = #tpu.dot_dimension_numbers<[1], [1], [0], [0], [0, 0, 1, 0], [], []>, precision = #tpu.contract_precision<fp32>, transpose_lhs_hint = false} : vector<1000x128xf32>, vector<128x128xf32>, vector<1000x128xf32> -> vector<1000x128xf32>
    %mul3A_44 = arith.constant 5.000000e-01 : f32
    %mul3A_45 = vector.broadcast %mul3A_44 : f32 to vector<1000x128xf32>
    %mul3A_46 = arith.mulf %mul3A_45, %dot_general3A_43 : vector<1000x128xf32>
    %add3A_47 = arith.addf %add3A_38, %mul3A_46 : vector<1000x128xf32>
    %swap3A = arith.constant 0 : index
    %swap3A_48 = arith.constant 0 : index
    %swap3A_49 = vector.load %arg10[%swap3A, %swap3A_48] : memref<1000x128xf32, #tpu.memory_space<vmem>>, vector<1000x128xf32>
    tpu.vector_store %arg10[%swap3A, %swap3A_48], %add3A_47 {strides = array<i32>} : memref<1000x128xf32, #tpu.memory_space<vmem>>, vector<1000x128xf32>,
    return
  }
  func.func @transform_0(%arg0: i32) -> (i32, i32) {
    %c0_i32 = arith.constant 0 : i32
    %c0_i32_0 = arith.constant 0 : i32
    return %arg0, %c0_i32 : i32, i32
  }
  func.func @transform_1(%arg0: i32) -> (i32, i32) {
    %c0_i32 = arith.constant 0 : i32
    %c0_i32_0 = arith.constant 0 : i32
    %c0_i32_1 = arith.constant 0 : i32
    return %c0_i32, %c0_i32_0 : i32, i32
  }
  func.func @transform_2(%arg0: i32) -> (i32, i32) {
    %c0_i32 = arith.constant 0 : i32
    %c0_i32_0 = arith.constant 0 : i32
    %c0_i32_1 = arith.constant 0 : i32
    return %c0_i32, %c0_i32_0 : i32, i32
  }
  func.func @transform_3(%arg0: i32) -> (i32, i32) {
    %c0_i32 = arith.constant 0 : i32
    %c0_i32_0 = arith.constant 0 : i32
    %c0_i32_1 = arith.constant 0 : i32
    return %c0_i32, %c0_i32_0 : i32, i32
  }
  func.func @transform_4(%arg0: i32) -> (i32, i32) {
    %c0_i32 = arith.constant 0 : i32
    %c0_i32_0 = arith.constant 0 : i32
    %c0_i32_1 = arith.constant 0 : i32
    return %c0_i32, %c0_i32_0 : i32, i32
  }
  func.func @transform_5(%arg0: i32) -> (i32, i32) {
    %c0_i32 = arith.constant 0 : i32
    %c0_i32_0 = arith.constant 0 : i32
    return %arg0, %c0_i32 : i32, i32
  }
  func.func @transform_6(%arg0: i32) -> (i32, i32) {
    %c0_i32 = arith.constant 0 : i32
    %c0_i32_0 = arith.constant 0 : i32
    return %arg0, %c0_i32 : i32, i32
  }
  func.func @transform_7(%arg0: i32) -> (i32, i32) {
    %c0_i32 = arith.constant 0 : i32
    %c0_i32_0 = arith.constant 0 : i32
    return %arg0, %c0_i32 : i32, i32
  }
  func.func @transform_8(%arg0: i32) -> (i32, i32) {
    %c0_i32 = arith.constant 0 : i32
    %c0_i32_0 = arith.constant 0 : i32
    return %arg0, %c0_i32 : i32, i32
  }
  func.func @transform_9(%arg0: i32) -> (i32, i32) {
    %c0_i32 = arith.constant 0 : i32
    %c0_i32_0 = arith.constant 0 : i32
    return %arg0, %c0_i32 : i32, i32
  }
}

</mosaic_0001>

<sc_bundles>
// kernel: kernel.4.cloned.1.call-start
scs
__scs_entry_jumppad:
0x0: {  	(pc) =	sbr.rel $0x88, $3  }
0x1: {  	(tag) =	ssettag $0x0;
	lr =	simm.s32 $0x1  }
0x2: {  	[smem:$0x3F9B] =	sst lr;
	_ =	strace $0xD0000000  }
0x3: {  	_ = 	snop  }
0x4: {  	_ = 	snop  }
0x5: {  	_ = 	snop  }
0x6: {  	_ = 	snop  }
0x7: {  	_ = 	snop  }
__scs_overlays_trampoline_lowered:
0x8: {  	[smem:$0x3FAA] =	sst s0  }
0x9: {  	[smem:$0x3FAB] =	sst s1  }
0xa: {  	[smem:$0x3FAC] =	sst s2  }
0xb: {  	[smem:$0x3FAD] =	sst s3  }
0xc: {  	[smem:$0x3FAE] =	sst s4  }
0xd: {  	[smem:$0x3FAF] =	sst s5  }
0xe: {  	[smem:$0x3FB0] =	sst s6  }
0xf: {  	[smem:$0x3FB1] =	sst s7  }
0x10: {  	[smem:$0x3FB2] =	sst s8  }
0x11: {  	[smem:$0x3FB3] =	sst s9;
	s0 =	simm.s32 @!p0 $0x0  }
0x12: {  	s1 =	sld [smem:$0x3F99];
	s0 =	simm.s32 @p0 $0x1  }
0x13: {  	[smem:$0x3FB4] =	sst s0;
	s0 =	simm.s32 @!p1 $0x0  }
0x14: {  	s2 =	sld [smem:$0x3F98];
	s0 =	simm.s32 @p1 $0x1  }
0x15: {  	[smem:$0x3FB5] =	sst s0;
	s0 =	simm.s32 @!p2 $0x0  }
0x16: {  	s3 =	sld [smem:$0x3FDB];
	s0 =	simm.s32 @p2 $0x1  }
0x17: {  	s4 =	simm.s32 $0x1BF5;
	[smem:$0x3FB7] =	sst s0  }
0x18: {  	s0 =	sld [smem:$0x3F9A];
	_ =	swait.ge [sflag:s4], $0x0  }
0x19: {  	s7 =	sld [smem:$0x3F9B]  }
0x1a: {  	s8 =	sadd.s32 $0xFFFFE003, lr  }
0x1b: {  	s9 =	sadd.s32 $0xFFFFFEF7, lr;
	s5 =	simm.s32 $0xFFFFFFFF;
	p2 =	slt.u32 s8, $0xFFFFF086  }
0x1c: {  	p1 =	slt.u32 s9, $0xF7A;
	s5 =	simm.s32 @!p2 $0x0  }
0x1d: {  	s5 =	simm.s32 @p1 $0x1;
	p0 =	seq.s32 s7, s2  }
0x1e: {  	s7 =	smul.u32 @!p0 $0xF7A, s2;
	p2 =	seq.s32 @!p0 s5, $0x0  }
0x1f: {  	s9 =	smul.u32 $0xF7A, s1;
	s8 =	simm.s32 @!p0 $0x1BF5;
	p2 =	por !p2, p0  }
0x20: {  	[sflag:s8] =	ssyncset.s32 @!p0 $0xFFFFF086;
	s6 =	sadd.s32 @!p0 s3, s7;
	s7 =	simm.s32 @!p0 $0x108  }
0x21: {  	s3 =	sadd.s32 s3, s9;
	s6 =	sadd.s32 @!p0 $0x88, s6;
	s7 =	simm.s32 @p2 $0x1082  }
0x22: {  	[simem:s7], [sflag:s8] =	dma.local @!p0 [hbm:s6], $0xF7A  }
0x23: {  	s9 =	sor.u32 $0xD0000000, s2;
	s6 =	simm.s32 $0x108;
	_ =	swait.ge @!p0 [sflag:s8], $0x0  }
0x24: {  	s3 =	sadd.s32 $0x88, s3;
	s6 =	simm.s32 @!p1 $0x1082;
	[sflag:s4] =	ssyncset.s32 $0xFFFFF086  }
0x25: {  	[simem:s6], [sflag:s4] =	dma.local [hbm:s3], $0xF7A  }
0x26: {  	[smem:$0x3F9B] =	sst s1;
	(tag) =	ssettag s2;
	_ =	strace s9  }
0x27: {  	s1 =	sld [smem:$0x3FAB]  }
0x28: {  	s2 =	sld [smem:$0x3FAC]  }
0x29: {  	s4 =	sld [smem:$0x3FAE]  }
0x2a: {  	p0 =	seq.s32 s5, $0x0;
	s5 =	sld [smem:$0x3FAF]  }
0x2b: {  	s6 =	sld [smem:$0x3FB0]  }
0x2c: {  	s7 =	sld [smem:$0x3FB1]  }
0x2d: {  	s3 =	simm.s32 $0x108;
	s8 =	sld [smem:$0x3FB2]  }
0x2e: {  	s3 =	simm.s32 @!p0 $0x1082;
	s9 =	sld [smem:$0x3FB3]  }
0x2f: {  	lr =	sadd.s32 s0, s3;
	s0 =	sld [smem:$0x3FAA]  }
0x30: {  	s3 =	sld [smem:$0x3FAD]  }
0x31: {  	[smem:$0x3FB6] =	sst s10  }
0x32: {  	s10 =	sld [smem:$0x3FB4];
	_ =	sdelay $0x3  }
0x33: {  	p0 =	seq.s32 s10, $0x1;
	s10 =	sld [smem:$0x3FB6];
	_ =	sdelay $0x3  }
0x34: {  	[smem:$0x3FB6] =	sst s10  }
0x35: {  	s10 =	sld [smem:$0x3FB5];
	_ =	sdelay $0x3  }
0x36: {  	p1 =	seq.s32 s10, $0x1;
	s10 =	sld [smem:$0x3FB6];
	_ =	sdelay $0x3  }
0x37: {  	[smem:$0x3FB6] =	sst s10  }
0x38: {  	s10 =	sld [smem:$0x3FB7]  }
0x39: {  	_ = 	snop;
	(pc) =	sbr.ind lr, $3  }
0x3a: {  	_ = 	snop  }
0x3b: {  	_ = 	snop  }
0x3c: {  	p2 =	seq.s32 s10, $0x1;
	s10 =	sld [smem:$0x3FB6]  }
0x3d: {  	_ =	shalt  }
0x3e: {  	_ =	shalt  }
0x3f: {  	_ =	shalt  }
0x40: {  	_ =	shalt  }
0x41: {  	_ =	shalt  }
0x42: {  	_ =	shalt  }
0x43: {  	_ =	shalt  }
0x44: {  	_ =	shalt  }
0x45: {  	_ =	shalt  }
0x46: {  	_ =	shalt  }
0x47: {  	_ =	shalt  }
0x48: {  	_ =	shalt  }
0x49: {  	_ =	shalt  }
0x4a: {  	_ =	shalt  }
0x4b: {  	_ =	shalt  }
0x4c: {  	_ =	shalt  }
0x4d: {  	_ =	shalt  }
0x4e: {  	_ =	shalt  }
0x4f: {  	_ =	shalt  }
0x50: {  	_ =	shalt  }
0x51: {  	_ =	shalt  }
0x52: {  	_ =	shalt  }
0x53: {  	_ =	shalt  }
0x54: {  	_ =	shalt  }
0x55: {  	_ =	shalt  }
0x56: {  	_ =	shalt  }
0x57: {  	_ =	shalt  }
0x58: {  	_ =	shalt  }
0x59: {  	_ =	shalt  }
0x5a: {  	_ =	shalt  }
0x5b: {  	_ =	shalt  }
0x5c: {  	_ =	shalt  }
0x5d: {  	_ =	shalt  }
0x5e: {  	_ =	shalt  }
0x5f: {  	_ =	shalt  }
0x60: {  	_ =	shalt  }
0x61: {  	_ =	shalt  }
0x62: {  	_ =	shalt  }
0x63: {  	_ =	shalt  }
0x64: {  	_ =	shalt  }
0x65: {  	_ =	shalt  }
0x66: {  	_ =	shalt  }
0x67: {  	_ =	shalt  }
0x68: {  	_ =	shalt  }
0x69: {  	_ =	shalt  }
0x6a: {  	_ =	shalt  }
0x6b: {  	_ =	shalt  }
0x6c: {  	_ =	shalt  }
0x6d: {  	_ =	shalt  }
0x6e: {  	_ =	shalt  }
0x6f: {  	_ =	shalt  }
0x70: {  	_ =	shalt  }
0x71: {  	_ =	shalt  }
0x72: {  	_ =	shalt  }
0x73: {  	_ =	shalt  }
0x74: {  	_ =	shalt  }
0x75: {  	_ =	shalt  }
0x76: {  	_ =	shalt  }
0x77: {  	_ =	shalt  }
0x78: {  	_ =	shalt  }
0x79: {  	_ =	shalt  }
0x7a: {  	_ =	shalt  }
0x7b: {  	_ =	shalt  }
0x7c: {  	_ =	shalt  }
0x7d: {  	_ =	shalt  }
0x7e: {  	_ =	shalt  }
0x7f: {  	_ =	shalt  }
0x80: {  	_ =	shalt  }
0x81: {  	_ =	shalt  }
0x82: {  	_ =	shalt  }
0x83: {  	_ =	shalt  }
0x84: {  	_ =	shalt  }
0x85: {  	_ =	shalt  }
0x86: {  	_ =	shalt  }
0x87: {  	_ =	shalt  }
.Lfunc_end0:
.L_simem_size_0:
called_computation_lowered:
.L_overlay_start_0:
0x88: {  	s2 =	sld [smem:$0x3FD9]  }
0x89: {  	s3 =	sld [smem:$0x3FFE];
	_ =	sdelay $0x1  }
0x8a: {  	s1 =	srdreg.scid  }
0x8b: {  	s0 =	sand.u32 $0x1, s1  }
0x8c: {  	s17 =	sshll.u32 s0, $0xA;
	s2 =	sadd.s32 s3, s2  }
0x8d: {  	s2 =	sadd.s32 s2, s17  }
0x8e: {  	[smem:$0x3FC2] =	sst s2  }
0x8f: {  	_ = 	snop  }
0x90: {  	s2 =	sld [smem:$0x3FD0];
	(tm) =	ssettm $0x1  }
0x91: {  	s18 =	sld [smem:$0x3FFB];
	_ =	sdelay $0x3  }
0x92: {  	_ =	strace s18  }
0x93: {  	s3 =	sld [smem:$0x3FFC];
	_ =	sdelay $0x3  }
0x94: {  	_ =	strace s3  }
0x95: {  	s3 =	sld [smem:$0x3FFD];
	_ =	sdelay $0x3  }
0x96: {  	_ =	strace s3  }
0x97: {  	_ =	strace $0x8FFFFFFF  }
0x98: {  	s19 =	sld [smem:$0x3FDB];
	_ =	sdelay $0x1  }
0x99: {  	s4 =	simm.s32 $_scs_section_size  }
0x9a: {  	s5 =	simm.s32 $_size__tile_overlayer_lowered;
	s6 =	simm.s32 $_tile_overlayer_lowered  }
0x9b: {  	s22 =	simm.s32 $0x1BFF;
	s21 =	sshll.u32 s6, $0x1;
	s3 =	sadd.s32 s4, s19  }
0x9c: {  	s7 =	simm.s32 $0x0;
	s20 =	sshll.u32 s5, $0x1;
	s5 =	sadd.s32 s21, s3  }
0x9d: {  	[timem:s7], [sflag:s22] =	dma.local [hbm:s5], s20  }
0x9e: {  	_ =	swait.ge [sflag:s22], s20  }
0x9f: {  	s4 =	ssub.s32 $0x0, s20;
	[sflag:s22] =	ssyncset.done $0x0  }
0xa0: {  	[sflag:s22] =	ssyncadd.s32 s4;
	_ =	sdelay $0x1  }
0xa1: {  	s23 =	simm.s32 $0x1B8B  }
0xa2: {  	_ =	swait.ge [sflag:s23], $0x1  }
0xa3: {  	[sflag:s23] =	ssyncset.done $0x0  }
0xa4: {  	s25 =	simm.s32 $0x1B8E;
	s24 =	sld [smem:$0x3FFE];
	[sflag:s23] =	ssyncadd.s32 $0xFFFFFFFF  }
0xa5: {  	s26 =	simm.s32 $execute0_lowered;
	[smem:$0x3FD2] =	sst s25  }
0xa6: {  	s5 =	sshll.u32 s26, $0x1;
	_ =	strace $0x80000046;
	[dreg:$0x1] =	wrdreg $0xFFFFFFFF  }
0xa7: {  	s28 =	simm.s32 $_size_execute0_lowered;
	s3 =	sadd.s32 s3, s5;
	[dreg:$0x0] =	wrdreg $0x0  }
0xa8: {  	s5 =	sshll.u32 s28, $0x1;
	[dreg:$0x2] =	wrdreg s3  }
0xa9: {  	[dreg:$0x3] =	wrdreg s5  }
0xaa: {  	[dreg:$0x4] =	wrdreg $0xC0  }
0xab: {  	_ =	task [dreg:s7], $0x5FFFF  }
0xac: {  	[dreg:$0x1] =	wrdreg $0xFFFFFFFF  }
0xad: {  	[dreg:$0x0] =	wrdreg $0x60  }
0xae: {  	[dreg:$0x2] =	wrdreg s24  }
0xaf: {  	[dreg:$0x3] =	wrdreg s2  }
0xb0: {  	[dreg:$0x4] =	wrdreg $0x0  }
0xb1: {  	[dreg:$0x5] =	wrdreg $0x13C000  }
0xb2: {  	[dreg:$0x6] =	wrdreg $0x9  }
0xb3: {  	_ =	task.clear_ibuf [dreg:s7], $0x7FFFF;
	_ =	strace $0x90000046  }
0xb4: {  	s29 =	simm.s32 $0x9;
	_ =	strace $0x80000048  }
0xb5: {  	_ =	swait.ge [sflag:s29], $0x1  }
0xb6: {  	[sflag:s29] =	ssyncadd.s32 $0xFFFFFFFF  }
0xb7: {  	_ =	strace $0x90000048  }
0xb8: {  	_ =	sfence  }
0xb9: {  	s30 =	sld [smem:$0x0];
	_ =	sdelay $0x2  }
0xba: {  	s31 =	sshll.u32 s1, $0xD;
	s1 =	sshrl.u32 s1, $0x2  }
0xbb: {  	s3 =	sand.u32 $0x4000, s31;
	s1 =	sadd.s32 s1, s30  }
0xbc: {  	s0 =	sor.u32 s3, s0;
	s1 =	sshll.u32 s1, $0x11  }
0xbd: {  	s0 =	sor.u32 s1, s0  }
0xbe: {  	s0 =	sadd.s32 $0x8F2B, s0  }
0xbf: {  	[sflag:s0] =	ssyncadd.remote.s32 $0x1  }
0xc0: {  	_ =	sfence.sel $0xFFFF  }
0xc1: {  	[dreg:$0x0] =	wrdreg $0xFFFFFFFF;
	(pc) =	sbr.abs _section_cstart, $3  }
0xc2: {  	[dreg:$0x1] =	wrdreg $0xFFFFFFFF  }
0xc3: {  	_ =	task.clear_ibuf [dreg:s7], $0x2FFFF;
	_ =	strace $0x9FFFFFFF  }
0xc4: {  	(tm) =	ssettm $0x7FFFFFFF  }
0xc5: {  	_ =	shalt  }
tec
execute0_lowered:
.L_overlay_start_1:
0x0: {  	(tag) =	ssettag $0x1  }
0x1: {  	s8 =	rddreg [dreg:$0x0]  }
0x2: {  	s13 =	rddreg [dreg:$0x1]  }
0x3: {  	s1 =	rddreg [dreg:$0x2]  }
0x4: {  	s2 =	rddreg [dreg:$0x3]  }
0x5: {  	s0 =	rddreg [dreg:$0x4];
	s3 =	simm.s32 $0x0  }
0x6: {  	s25 =	stileid.u32;
	s9 =	srdreg.scid;
	s19 =	simm.s32 $0x13E78  }
0x7: {  	s20 =	simm.s32 $0x2;
	s21 =	simm.s32 $0x80;
	s22 =	simm.s32 $0x13EF8  }
0x8: {  	s23 =	simm.s32 $0x17F78;
	s24 =	simm.s32 $0x1;
	s14 =	smul.u32 $0x9D0, s25  }
0x9: {  	[smem:$0x7FF] =	sst s3;
	s4 =	sadd.s32 $0xAC00, s8;
	s7 =	smul.u32 $0x2780, s25  }
0xa: {  	s5 =	sadd.s32 $0x32400, s8;
	s6 =	sadd.s32 $0x31E00, s8;
	s18 =	sand.u32 $0x1, s9  }
0xb: {  	s10 =	smul.u32 $0x4F000, s25;
	s31 =	sshll.u32 s25, $0x6;
	p0 =	sne.s32 s25, $0x0  }
0xc: {  	p2 =	seq.s32 s25, $0x0;
	s25 =	simm.s32 $0x0;
	_ =	strace $0x80000047  }
0xd: {  	s9 =	ssub.s32 $0x2, s18;
	s17 =	sshrl.u32 @!p0 s2, $0x3;
	p1 =	sne.s32 s18, $0x0  }
0xe: {  	s18 =	simm.s32 $0x13F78;
	s15 =	sadd.s32 s14, s8;
	s11 =	sadd.s32 s7, s8  }
.Ltmp0:
0xf: {  	s7 =	sadd.s32 $0x34C00, s8;
	s8 =	sadd.s32 $0x35200, s8;
	(pc) =	sbr.rel .LBB2_1-.Ltmp0, $4  }
0x10: {  	s12 =	sshrl.u32 s9, $0x1;
	s30 =	sshrl.u32 s10, $0x2;
	s13 =	sadd.s32 s14, s13  }
0x11: {  	s12 =	ssub.s32 s9, s12;
	s16 =	sadd.s32 s30, s1;
	s9 =	sor.u32 $0x1C03, s31  }
0x12: {  	s10 =	sadd.s32 $0x35800, s11;
	s11 =	sadd.s32 $0x5D000, s11;
	s14 =	sadd.s32 $0xE00, s15  }
0x13: {  	v0 =	vimm.f32 $1.000000000e+00;
	s12 =	smax.u32 s12, $0x1;
	s15 =	sshrl.u32 s16, $0x3;
	s16 =	simm.s32 $0x3  }
.LBB2_8:
0x14: {  	s28 =	sshrl.u32 s2, $0x3  }
0x15: {  	[hbm:s26], [sflag:s9] =	dma.local [spmem:s28], $0x4F0  }
0x16: {  	_ =	swait.ge [sflag:s16], $0x4F0  }
0x17: {  	[sflag:s16] =	ssyncset.done $0x0  }
0x18: {  	[sflag:s16] =	ssyncadd.s32 $0xFFFFFB10  }
.LBB2_9:
0x19: {  	s25 =	sadd.s32 $0x1, s25  }
0x1a: {  	p3 =	sne.s32 s25, s12  }
.Ltmp1:
0x1b: {  	_ = 	snop;
	(pc) =	sbr.rel @!p3 .LBB2_10-.Ltmp1, $1  }
0x1c: {  	_ =	sdelay $0x3  }
.LBB2_1:
0x1d: {  	[tilespmem:$0x17F78] =	vst v0  }
0x1e: {  	[tilespmem:$0x17F88] =	vst v0  }
0x1f: {  	[tilespmem:$0x17F98] =	vst v0  }
0x20: {  	[tilespmem:$0x17FA8] =	vst v0  }
0x21: {  	[tilespmem:$0x17FB8] =	vst v0  }
0x22: {  	[tilespmem:$0x17FC8] =	vst v0  }
0x23: {  	[tilespmem:$0x17FD8] =	vst v0  }
0x24: {  	[tilespmem:$0x17FE8] =	vst v0  }
0x25: {  	[spmem:s15], [sflag:s9] =	dma.local [hbm:s5], $0x2780  }
0x26: {  	_ =	swait.ge [sflag:s16], $0x2780  }
0x27: {  	[sflag:s16] =	ssyncset.done $0x0  }
0x28: {  	s26 =	simm.s32 @!p0 $0x3;
	[sflag:s16] =	ssyncadd.s32 $0xFFFFD880  }
0x29: {  	[spmem:s17], [sflag:s9] =	dma.local @!p0 [hbm:s6], $0x4F0  }
.Ltmp2:
0x2a: {  	_ =	swait.ge @!p0 [sflag:s26], $0x4F0;
	(pc) =	sbr.rel @p1 .LBB2_5-.Ltmp2, $4  }
0x2b: {  	[sflag:s26] =	ssyncset.done @!p0 $0x0  }
0x2c: {  	[sflag:s26] =	ssyncadd.s32 @!p0 $0xFFFFFB10  }
0x2d: {  	[bflag:$0x0] =	sbarrier.arrive $0xFFFF  }
0x2e: {  	[tilespmem:s18], [sflag:$0x2] =	stream.linear.gather [hbm4b:s5+s3], $0x4000, $0x38;
	[tilespmem:$0x17FF8] =	vst v63  }
0x2f: {  	s26 =	sadd.s32 $0x0, s13  }
0x30: {  	[tilespmem:s19], [sflag:$0x3] =	stream.linear.gather [hbm4b:s26+s3], $0x80, $0x38;
	[tilespmem:$0x17FF8] =	vst v63  }
0x31: {  	_ =	swait.ge [sflag:s16], $0x80  }
0x32: {  	[sflag:s16] =	ssyncset.done $0x0  }
0x33: {  	[sflag:s16] =	ssyncadd.s32 $0xFFFFFF80  }
0x34: {  	_ =	swait.ge [sflag:s20], $0x4000  }
0x35: {  	[sflag:s20] =	ssyncset.done $0x0  }
0x36: {  	[sflag:s20] =	ssyncadd.s32 $0xFFFFC000  }
0x37: {  	[tilespmem:s18], [sflag:$0x1] =	stream.indirect.gather [hbm4b:s4+s21], $0x80, s19, s21, $0xb8;
	[tilespmem:$0x17FF8] =	vst v63  }
0x38: {  	s31 =	sadd.s32 $0x0, s14  }
0x39: {  	[tilespmem:s22], [sflag:$0x3] =	stream.linear.gather [hbm4b:s31+s3], $0x80, $0x38;
	[tilespmem:$0x17FF8] =	vst v63  }
0x3a: {  	_ =	swait.ge [sflag:s16], $0x80  }
0x3b: {  	[sflag:s16] =	ssyncset.done $0x0  }
0x3c: {  	[sflag:s16] =	ssyncadd.s32 $0xFFFFFF80  }
0x3d: {  	[spmem:s2] =	stream.indirect.scatter.add.f32 [tilespmem:s23], [sflag:$0x3], $0x1, s22, s21, $0xb8;
	[tilespmem:$0x17FF8] =	vst v63  }
0x3e: {  	_ =	swait.ge [sflag:s16], $0x80  }
0x3f: {  	[sflag:s16] =	ssyncset.done $0x0  }
0x40: {  	[sflag:s16] =	ssyncadd.s32 $0xFFFFFF80  }
0x41: {  	_ =	swait.ge [sflag:s24], $0x4000  }
0x42: {  	[sflag:s24] =	ssyncset.done $0x0  }
0x43: {  	s26 =	simm.s32 $0x10;
	[sflag:s24] =	ssyncadd.s32 $0xFFFFC000  }
.LBB2_3:
0x44: {  	[spmem:s1] =	stream.indirect.scatter.add.f32 [tilespmem:s18], [sflag:$0x2], $0x80, s22, s21, $0xb8;
	[tilespmem:$0x17FF8] =	vst v63  }
0x45: {  	s28 =	smov.u32 s26  }
0x46: {  	p3 =	sne.s32 s26, $0x9C0;
	s26 =	sadd.s32 $0x10, s26;
	s29 =	sadd.s32 s28, s13  }
0x47: {  	[tilespmem:s19], [sflag:$0x3] =	stream.linear.gather [hbm4b:s29+s3], $0x80, $0x38;
	[tilespmem:$0x17FF8] =	vst v63  }
0x48: {  	_ =	swait.ge [sflag:s16], $0x80  }
0x49: {  	[sflag:s16] =	ssyncset.done $0x0  }
0x4a: {  	[sflag:s16] =	ssyncadd.s32 $0xFFFFFF80  }
0x4b: {  	_ =	swait.ge [sflag:s20], $0x4000  }
0x4c: {  	[sflag:s20] =	ssyncset.done $0x0  }
0x4d: {  	[sflag:s20] =	ssyncadd.s32 $0xFFFFC000  }
0x4e: {  	[tilespmem:s18], [sflag:$0x1] =	stream.indirect.gather [hbm4b:s4+s21], $0x80, s19, s21, $0xb8;
	[tilespmem:$0x17FF8] =	vst v63  }
0x4f: {  	s28 =	sadd.s32 s28, s14  }
0x50: {  	[tilespmem:s22], [sflag:$0x3] =	stream.linear.gather [hbm4b:s28+s3], $0x80, $0x38;
	[tilespmem:$0x17FF8] =	vst v63  }
0x51: {  	_ =	swait.ge [sflag:s16], $0x80  }
0x52: {  	[sflag:s16] =	ssyncset.done $0x0  }
0x53: {  	[sflag:s16] =	ssyncadd.s32 $0xFFFFFF80  }
0x54: {  	[spmem:s2] =	stream.indirect.scatter.add.f32 [tilespmem:s23], [sflag:$0x3], $0x1, s22, s21, $0xb8;
	[tilespmem:$0x17FF8] =	vst v63  }
0x55: {  	_ =	swait.ge [sflag:s16], $0x80  }
.Ltmp3:
0x56: {  	[sflag:s16] =	ssyncset.done $0x0;
	(pc) =	sbr.rel @p3 .LBB2_3-.Ltmp3, $4  }
0x57: {  	[sflag:s16] =	ssyncadd.s32 $0xFFFFFF80  }
0x58: {  	_ =	swait.ge [sflag:s24], $0x4000  }
0x59: {  	[sflag:s24] =	ssyncset.done $0x0  }
0x5a: {  	[sflag:s24] =	ssyncadd.s32 $0xFFFFC000  }
0x5b: {  	[spmem:s1] =	stream.indirect.scatter.add.f32 [tilespmem:s18], [sflag:$0x2], $0x80, s22, s21, $0xb8;
	[tilespmem:$0x17FF8] =	vst v63  }
0x5c: {  	_ =	swait.ge [sflag:s20], $0x4000  }
0x5d: {  	[sflag:s20] =	ssyncset.done $0x0  }
0x5e: {  	[sflag:s20] =	ssyncadd.s32 $0xFFFFC000  }
0x5f: {  	[bflag:$0x0] =	sbarrier.arrive $0xFFFF  }
0x60: {  	[hbm:s11], [sflag:s9] =	dma.local [spmem:s15], $0x2780  }
.Ltmp4:
0x61: {  	_ = 	snop;
	(pc) =	sbr.rel @!p2 .LBB2_9-.Ltmp4, $4  }
.Ltmp5:
0x62: {  	_ = 	snop;
	(pc) =	sbr.rel @p2 .LBB2_8-.Ltmp5, $4  }
0x63: {  	_ =	swait.ge [sflag:s16], $0x2780  }
0x64: {  	[sflag:s16] =	ssyncset.done $0x0  }
0x65: {  	s26 =	smov.u32 s7;
	[sflag:s16] =	ssyncadd.s32 $0xFFFFD880  }
0x66: {  	_ = 	snop  }
.LBB2_5:
0x67: {  	s26 =	sadd.s32 $0x0, s14  }
0x68: {  	[tilespmem:s19], [sflag:$0x3] =	stream.linear.gather [hbm4b:s26+s3], $0x80, $0x38;
	[tilespmem:$0x17FF8] =	vst v63  }
0x69: {  	_ =	swait.ge [sflag:s16], $0x80  }
0x6a: {  	[sflag:s16] =	ssyncset.done $0x0  }
0x6b: {  	[sflag:s16] =	ssyncadd.s32 $0xFFFFFF80  }
0x6c: {  	_ =	swait.ge [sflag:s20], $0x4000  }
0x6d: {  	[sflag:s20] =	ssyncset.done $0x0  }
0x6e: {  	[sflag:s20] =	ssyncadd.s32 $0xFFFFC000  }
0x6f: {  	[tilespmem:s18], [sflag:$0x1] =	stream.indirect.gather [hbm4b:s4+s21], $0x80, s19, s21, $0xb8;
	[tilespmem:$0x17FF8] =	vst v63  }
0x70: {  	s31 =	sadd.s32 $0x0, s13  }
0x71: {  	[tilespmem:s22], [sflag:$0x3] =	stream.linear.gather [hbm4b:s31+s3], $0x80, $0x38;
	[tilespmem:$0x17FF8] =	vst v63  }
0x72: {  	_ =	swait.ge [sflag:s16], $0x80  }
0x73: {  	[sflag:s16] =	ssyncset.done $0x0  }
0x74: {  	[sflag:s16] =	ssyncadd.s32 $0xFFFFFF80  }
0x75: {  	[spmem:s2] =	stream.indirect.scatter.add.f32 [tilespmem:s23], [sflag:$0x3], $0x1, s22, s21, $0xb8;
	[tilespmem:$0x17FF8] =	vst v63  }
0x76: {  	_ =	swait.ge [sflag:s16], $0x80  }
0x77: {  	[sflag:s16] =	ssyncset.done $0x0  }
0x78: {  	[sflag:s16] =	ssyncadd.s32 $0xFFFFFF80  }
0x79: {  	_ =	swait.ge [sflag:s24], $0x4000  }
0x7a: {  	[sflag:s24] =	ssyncset.done $0x0  }
0x7b: {  	s26 =	simm.s32 $0x10;
	[sflag:s24] =	ssyncadd.s32 $0xFFFFC000  }
.LBB2_6:
0x7c: {  	[spmem:s1] =	stream.indirect.scatter.add.f32 [tilespmem:s18], [sflag:$0x2], $0x80, s22, s21, $0xb8;
	[tilespmem:$0x17FF8] =	vst v63  }
0x7d: {  	s28 =	smov.u32 s26  }
0x7e: {  	p3 =	sne.s32 s26, $0x9C0;
	s26 =	sadd.s32 $0x10, s26;
	s29 =	sadd.s32 s28, s14  }
0x7f: {  	[tilespmem:s19], [sflag:$0x3] =	stream.linear.gather [hbm4b:s29+s3], $0x80, $0x38;
	[tilespmem:$0x17FF8] =	vst v63  }
0x80: {  	_ =	swait.ge [sflag:s16], $0x80  }
0x81: {  	[sflag:s16] =	ssyncset.done $0x0  }
0x82: {  	[sflag:s16] =	ssyncadd.s32 $0xFFFFFF80  }
0x83: {  	_ =	swait.ge [sflag:s20], $0x4000  }
0x84: {  	[sflag:s20] =	ssyncset.done $0x0  }
0x85: {  	[sflag:s20] =	ssyncadd.s32 $0xFFFFC000  }
0x86: {  	[tilespmem:s18], [sflag:$0x1] =	stream.indirect.gather [hbm4b:s4+s21], $0x80, s19, s21, $0xb8;
	[tilespmem:$0x17FF8] =	vst v63  }
0x87: {  	s28 =	sadd.s32 s28, s13  }
0x88: {  	[tilespmem:s22], [sflag:$0x3] =	stream.linear.gather [hbm4b:s28+s3], $0x80, $0x38;
	[tilespmem:$0x17FF8] =	vst v63  }
0x89: {  	_ =	swait.ge [sflag:s16], $0x80  }
0x8a: {  	[sflag:s16] =	ssyncset.done $0x0  }
0x8b: {  	[sflag:s16] =	ssyncadd.s32 $0xFFFFFF80  }
0x8c: {  	[spmem:s2] =	stream.indirect.scatter.add.f32 [tilespmem:s23], [sflag:$0x3], $0x1, s22, s21, $0xb8;
	[tilespmem:$0x17FF8] =	vst v63  }
0x8d: {  	_ =	swait.ge [sflag:s16], $0x80  }
.Ltmp6:
0x8e: {  	[sflag:s16] =	ssyncset.done $0x0;
	(pc) =	sbr.rel @p3 .LBB2_6-.Ltmp6, $4  }
0x8f: {  	[sflag:s16] =	ssyncadd.s32 $0xFFFFFF80  }
0x90: {  	_ =	swait.ge [sflag:s24], $0x4000  }
0x91: {  	[sflag:s24] =	ssyncset.done $0x0  }
0x92: {  	[sflag:s24] =	ssyncadd.s32 $0xFFFFC000  }
0x93: {  	[spmem:s1] =	stream.indirect.scatter.add.f32 [tilespmem:s18], [sflag:$0x2], $0x80, s22, s21, $0xb8;
	[tilespmem:$0x17FF8] =	vst v63  }
0x94: {  	_ =	swait.ge [sflag:s20], $0x4000  }
0x95: {  	[sflag:s20] =	ssyncset.done $0x0  }
0x96: {  	[sflag:s20] =	ssyncadd.s32 $0xFFFFC000  }
0x97: {  	[bflag:$0x0] =	sbarrier.arrive $0xFFFF  }
0x98: {  	[hbm:s10], [sflag:s9] =	dma.local [spmem:s15], $0x2780  }
.Ltmp7:
0x99: {  	_ = 	snop;
	(pc) =	sbr.rel @p0 .LBB2_9-.Ltmp7, $4  }
.Ltmp8:
0x9a: {  	_ = 	snop;
	(pc) =	sbr.rel @!p0 .LBB2_8-.Ltmp8, $4  }
0x9b: {  	_ =	swait.ge [sflag:s16], $0x2780  }
0x9c: {  	[sflag:s16] =	ssyncset.done $0x0  }
0x9d: {  	s26 =	smov.u32 s8;
	[sflag:s16] =	ssyncadd.s32 $0xFFFFD880  }
0x9e: {  	_ = 	snop  }
.LBB2_10:
0x9f: {  	_ =	sfence.sel $0x180000  }
0xa0: {  	[bflag:$0x0] =	sbarrier.arrive $0xFFFF  }
0xa1: {  	_ =	strace $0x90000047  }
0xa2: {  	s0 =	sadd.s32 @!p0 $0x100000, s0;
	[bflag:$0x2] =	sbarrier.arrive $0xFFFF  }
0xa3: {  	[sflag:s0] =	ssyncadd.tile.s32 @!p0 $0x1;
	_ =	shalt  }
.Lfunc_end2:
_tile_overlayer_lowered:
.L_overlay_start_2:
0xa4: {  	(tag) =	ssettag $0x2  }
0xa5: {  	s0 =	rddreg [dreg:$0x0];
	s2 =	stileid.u32  }
0xa6: {  	s1 =	rddreg [dreg:$0x1];
	p0 =	sne.s32 s2, $0x0  }
0xa7: {  	s3 =	rddreg [dreg:$0x2];
	[bflag:$0x3] =	sbarrier.arrive $0xFFFF;
	s2 =	simm.s32 @!p0 $0x1C03  }
0xa8: {  	[timem:s3], [sflag:s2] =	dma.local @!p0 [hbm:s0], s1  }
0xa9: {  	s0 =	simm.s32 @!p0 $0x3  }
0xaa: {  	_ =	swait.ge @!p0 [sflag:s0], s1  }
0xab: {  	s1 =	ssub.s32 @!p0 $0x0, s1;
	[sflag:s0] =	ssyncset.done @!p0 $0x0  }
0xac: {  	[sflag:s0] =	ssyncadd.s32 @!p0 s1  }
0xad: {  	[bflag:$0x3] =	sbarrier.arrive $0xFFFF  }
0xae: {  	_ =	shalt  }

</sc_bundles>
